<compile_context>
chip_gen: v7x
topology: tpu7x:2x2x1
jax: 0.10.2.dev20260603
libtpu: 0.0.44.dev20260713+nightly
codegen_flags: <defaults>
</compile_context>

<pallas_src>
import jax
import jax.numpy as jnp
from jax import lax
from jax.experimental import pallas as pl
from jax.experimental.pallas import tpu as pltpu
from jax.experimental.pallas import tpu_sc as plsc

B = 16384
LANES = 16
NUM_TILES = 16
ROWS_PER_TILE = B // NUM_TILES
STEPS = ROWS_PER_TILE // LANES


def _f1_body(out_hbm, tgt_hbm, res_hbm, logits_v, tgt_v, part_v, shared,
             acc_v, out_v, sem_a, sem_b):
    tid = lax.axis_index("s")

    cp_a = pltpu.async_copy(
        out_hbm.at[pl.ds(tid * 2 * ROWS_PER_TILE, 2 * ROWS_PER_TILE)],
        logits_v, sem_a)
    cp_b = pltpu.async_copy(
        tgt_hbm.at[pl.ds(tid * ROWS_PER_TILE, ROWS_PER_TILE)], tgt_v, sem_b)
    cp_a.wait()
    cp_b.wait()

    even = lax.iota(jnp.int32, LANES) * 2
    zero = jnp.zeros((LANES,), jnp.float32)

    def step(i, carry):
        tp, pp = carry
        idx = even + i * (2 * LANES)
        a = plsc.load_gather(logits_v, [idx])
        b = plsc.load_gather(logits_v, [idx + 1])
        t = tgt_v[pl.ds(i * LANES, LANES)]
        pf = (b > a).astype(jnp.float32)
        tf = t.astype(jnp.float32)
        return tp + pf * tf, pp + (pf + tf)

    tp, pp = lax.fori_loop(0, STEPS, step, (zero, zero), unroll=4)

    part_v[pl.ds(0, LANES)] = lax.broadcast_in_dim(jnp.sum(tp), (LANES,), ())
    part_v[pl.ds(LANES, LANES)] = lax.broadcast_in_dim(jnp.sum(pp),
                                                       (LANES,), ())
    pltpu.sync_copy(part_v, shared.at[pl.ds(tid * 2 * LANES, 2 * LANES)])
    plsc.subcore_barrier()

    @pl.when(tid == 0)
    def _():
        pltpu.sync_copy(shared, acc_v)
        TP = jnp.zeros((LANES,), jnp.float32)
        PP = jnp.zeros((LANES,), jnp.float32)
        for t in range(NUM_TILES):
            TP = TP + acc_v[pl.ds((2 * t) * LANES, LANES)]
            PP = PP + acc_v[pl.ds((2 * t + 1) * LANES, LANES)]
        out_v[...] = (2.0 * TP) / (PP + 1e-10)
        pltpu.sync_copy(out_v, res_hbm)


@jax.jit
def _f1_sc(out_flat, tgt):
    mesh = plsc.VectorSubcoreMesh(core_axis_name="c", subcore_axis_name="s",
                                  num_cores=1, num_subcores=NUM_TILES)
    run = pl.kernel(
        _f1_body,
        out_type=jax.ShapeDtypeStruct((LANES,), jnp.float32),
        mesh=mesh,
        scratch_types=[
            pltpu.VMEM((2 * ROWS_PER_TILE,), jnp.float32),
            pltpu.VMEM((ROWS_PER_TILE,), jnp.int32),
            pltpu.VMEM((2 * LANES,), jnp.float32),
            pltpu.VMEM_SHARED((NUM_TILES * 2 * LANES,), jnp.float32),
            pltpu.VMEM((NUM_TILES * 2 * LANES,), jnp.float32),
            pltpu.VMEM((LANES,), jnp.float32),
            pltpu.SemaphoreType.DMA,
            pltpu.SemaphoreType.DMA,
        ],
        compiler_params=pltpu.CompilerParams(needs_layout_passes=False),
    )
    return run(out_flat, tgt)


def kernel(output, target):
    out_flat = output.reshape(-1)
    tgt = target.astype(jnp.int32)
    res = _f1_sc(out_flat, tgt)
    return res[0]

# --- scband reference (transcript-rebuilt; emitter-appended) ---
"""Pipeline reference for scband-f1score-64544768524312 (READ-ONLY COPY).

The authoritative reference and input builder live on the scoring server;
editing this copy changes nothing except your own understanding.
"""

import jax, jax.numpy as jnp
import numpy as np


def setup_inputs(seed: int = 0) -> dict:
    key = jax.random.key(seed)
    k1, k2 = jax.random.split(key)
    output = jax.random.normal(k1, (16384, 2), dtype=jnp.float32)
    target = jax.random.randint(k2, (16384,), 0, 2, dtype=jnp.int64)
    return {"output": output, "target": target}


def reference(output, target):
    B, C = output.shape
    pred = jnp.argmax(output, axis=1)
    rows = jnp.arange(B)
    pre_mask = jnp.zeros((B, C), dtype=jnp.float32).at[rows, pred].set(1.0)
    tar_mask = jnp.zeros((B, C), dtype=jnp.float32).at[rows, target].set(1.0)
    TP = (pre_mask[:, 1] * tar_mask[:, 1]).sum()
    FP = (pre_mask[:, 1] * tar_mask[:, 0]).sum()
    FN = (pre_mask[:, 0] * tar_mask[:, 1]).sum()
    TN = (pre_mask[:, 0] * tar_mask[:, 0]).sum()
    precision = TP / (TP + FP + 1e-10)
    recall = TP / (TP + FN + 1e-10)
    F1 = 2 * precision * recall / (precision + recall + 1e-10)
    return F1

if __name__ == "__main__":
    import jax
    _d = setup_inputs()
    print(jax.jit(kernel)(*tuple(_d.values())))

</pallas_src>

<mosaic_0001>
#map = affine_map<(d0, d1) -> (0)>
module attributes {stable_mosaic.version = 14 : i64} {
  func.func @_f1_body(%arg0: i32, %arg1: i32, %arg2: memref<32768xf32, #tpu.memory_space<hbm>>, %arg3: memref<16384xi32, #tpu.memory_space<hbm>>, %arg4: memref<16xf32, #tpu.memory_space<hbm>>, %arg5: memref<2048xf32, #tpu.memory_space<vmem>>, %arg6: memref<1024xi32, #tpu.memory_space<vmem>>, %arg7: memref<32xf32, #tpu.memory_space<vmem>>, %arg8: memref<512xf32, #tpu.memory_space<vmem_shared>>, %arg9: memref<512xf32, #tpu.memory_space<vmem>>, %arg10: memref<16xf32, #tpu.memory_space<vmem>>, %arg11: memref<!tpu.dma_semaphore, #tpu.memory_space<semaphore_mem>>, %arg12: memref<!tpu.dma_semaphore, #tpu.memory_space<semaphore_mem>>) attributes {dimension_semantics = [#tpu.dimension_semantics<core_parallel>, #tpu.dimension_semantics<subcore_parallel>], iteration_bounds = array<i64: 1, 16>, scalar_prefetch = 0 : i64, scratch_operands = 8 : i64, tpu.core_type = #tpu.core_type<sc_vector_subcore>, window_params = [{transform_indices = #map}, {transform_indices = #map}, {transform_indices = #map}]} {
    %mul3A = arith.constant 2 : i32
    %mul3A_0 = arith.muli %arg1, %mul3A : i32
    %mul3A_1 = arith.constant 1024 : i32
    %mul3A_2 = arith.muli %mul3A_0, %mul3A_1 : i32
    %dma_start3A = tpu.memref_slice %arg2[%mul3A_2] : memref<32768xf32, #tpu.memory_space<hbm>> -> memref<2048xf32, #tpu.memory_space<hbm>>
    %dma_start3A_3 = tpu.memref_slice %arg2[%mul3A_2] : memref<32768xf32, #tpu.memory_space<hbm>> -> memref<2048xf32, #tpu.memory_space<hbm>>
    tpu.enqueue_dma source(%dma_start3A_3 : memref<2048xf32, #tpu.memory_space<hbm>>) target(%arg5 : memref<2048xf32, #tpu.memory_space<vmem>>) target_semaphore(%arg11 : memref<!tpu.dma_semaphore, #tpu.memory_space<semaphore_mem>>)
    %mul3A_4 = arith.constant 1024 : i32
    %mul3A_5 = arith.muli %arg1, %mul3A_4 : i32
    %dma_start3A_6 = tpu.memref_slice %arg3[%mul3A_5] : memref<16384xi32, #tpu.memory_space<hbm>> -> memref<1024xi32, #tpu.memory_space<hbm>>
    %dma_start3A_7 = tpu.memref_slice %arg3[%mul3A_5] : memref<16384xi32, #tpu.memory_space<hbm>> -> memref<1024xi32, #tpu.memory_space<hbm>>
    tpu.enqueue_dma source(%dma_start3A_7 : memref<1024xi32, #tpu.memory_space<hbm>>) target(%arg6 : memref<1024xi32, #tpu.memory_space<vmem>>) target_semaphore(%arg12 : memref<!tpu.dma_semaphore, #tpu.memory_space<semaphore_mem>>)
    %dma_wait3A = tpu.memref_slice %arg2[%mul3A_2] : memref<32768xf32, #tpu.memory_space<hbm>> -> memref<2048xf32, #tpu.memory_space<hbm>>
    %dma_wait3A_8 = tpu.memref_slice %arg2[%mul3A_2] : memref<32768xf32, #tpu.memory_space<hbm>> -> memref<2048xf32, #tpu.memory_space<hbm>>
    tpu.wait_dma2 semaphore(%arg11 : memref<!tpu.dma_semaphore, #tpu.memory_space<semaphore_mem>>) src(%dma_wait3A_8 : memref<2048xf32, #tpu.memory_space<hbm>>) dst(%arg5 : memref<2048xf32, #tpu.memory_space<vmem>>)
    %dma_wait3A_9 = tpu.memref_slice %arg3[%mul3A_5] : memref<16384xi32, #tpu.memory_space<hbm>> -> memref<1024xi32, #tpu.memory_space<hbm>>
    %dma_wait3A_10 = tpu.memref_slice %arg3[%mul3A_5] : memref<16384xi32, #tpu.memory_space<hbm>> -> memref<1024xi32, #tpu.memory_space<hbm>>
    tpu.wait_dma2 semaphore(%arg12 : memref<!tpu.dma_semaphore, #tpu.memory_space<semaphore_mem>>) src(%dma_wait3A_10 : memref<1024xi32, #tpu.memory_space<hbm>>) dst(%arg6 : memref<1024xi32, #tpu.memory_space<vmem>>)
    %iota3A = tpu.iota {dimensions = array<i32: 0>} : vector<16xi32>
    %mul3A_11 = arith.constant 2 : i32
    %mul3A_12 = vector.broadcast %mul3A_11 : i32 to vector<16xi32>
    %mul3A_13 = arith.muli %iota3A, %mul3A_12 : vector<16xi32>
    %broadcast_in_dim3A = arith.constant 0.000000e+00 : f32
    %broadcast_in_dim3A_14 = vector.broadcast %broadcast_in_dim3A : f32 to vector<16xf32>
    %scan3A = arith.constant 0 : i32
    %scan3A_15 = arith.constant 64 : i32
    %scan3A_16 = arith.addi %scan3A, %scan3A_15 : i32
    %scan3A_17 = arith.constant 4 : i32
    %scan3A_18:2 = scf.for %scan3A_38 = %scan3A to %scan3A_16 step %scan3A_17 iter_args(%scan3A_39 = %broadcast_in_dim3A_14, %scan3A_40 = %broadcast_in_dim3A_14) -> (vector<16xf32>, vector<16xf32>)  : i32 {
      %mul3A_41 = arith.constant 32 : i32
      %mul3A_42 = arith.muli %scan3A_38, %mul3A_41 : i32
      %add3A = vector.broadcast %mul3A_42 : i32 to vector<16xi32>
      %add3A_43 = arith.addi %mul3A_13, %add3A : vector<16xi32>
      %gather3A = tpu.vector_load_idx %arg5[%add3A_43] : memref<2048xf32, #tpu.memory_space<vmem>>[vector<16xi32>], vector<16xf32>,
      %add3A_44 = arith.constant 1 : i32
      %add3A_45 = vector.broadcast %add3A_44 : i32 to vector<16xi32>
      %add3A_46 = arith.addi %add3A_43, %add3A_45 : vector<16xi32>
      %gather3A_47 = tpu.vector_load_idx %arg5[%add3A_46] : memref<2048xf32, #tpu.memory_space<vmem>>[vector<16xi32>], vector<16xf32>,
      %mul3A_48 = arith.constant 16 : i32
      %mul3A_49 = arith.muli %scan3A_38, %mul3A_48 : i32
      %get3A = arith.index_cast %mul3A_49 : i32 to index
      %get3A_50 = tpu.vector_load %arg6[%get3A] {strides = array<i32>} : memref<1024xi32, #tpu.memory_space<vmem>>, vector<16xi32>,
      %gt3A = arith.cmpf ogt, %gather3A_47, %gather3A : vector<16xf32>
      %convert_element_type3A_51 = arith.extui %gt3A : vector<16xi1> to vector<16xi32>
      %convert_element_type3A_52 = arith.sitofp %convert_element_type3A_51 : vector<16xi32> to vector<16xf32>
      %convert_element_type3A_53 = arith.sitofp %get3A_50 : vector<16xi32> to vector<16xf32>
      %mul3A_54 = arith.mulf %convert_element_type3A_52, %convert_element_type3A_53 : vector<16xf32>
      %add3A_55 = arith.addf %scan3A_39, %mul3A_54 : vector<16xf32>
      %add3A_56 = arith.addf %convert_element_type3A_52, %convert_element_type3A_53 : vector<16xf32>
      %add3A_57 = arith.addf %scan3A_40, %add3A_56 : vector<16xf32>
      %scan3A_58 = arith.constant 1 : i32
      %scan3A_59 = arith.addi %scan3A_38, %scan3A_58 : i32
      %mul3A_60 = arith.constant 32 : i32
      %mul3A_61 = arith.muli %scan3A_59, %mul3A_60 : i32
      %add3A_62 = vector.broadcast %mul3A_61 : i32 to vector<16xi32>
      %add3A_63 = arith.addi %mul3A_13, %add3A_62 : vector<16xi32>
      %gather3A_64 = tpu.vector_load_idx %arg5[%add3A_63] : memref<2048xf32, #tpu.memory_space<vmem>>[vector<16xi32>], vector<16xf32>,
      %add3A_65 = arith.constant 1 : i32
      %add3A_66 = vector.broadcast %add3A_65 : i32 to vector<16xi32>
      %add3A_67 = arith.addi %add3A_63, %add3A_66 : vector<16xi32>
      %gather3A_68 = tpu.vector_load_idx %arg5[%add3A_67] : memref<2048xf32, #tpu.memory_space<vmem>>[vector<16xi32>], vector<16xf32>,
      %mul3A_69 = arith.constant 16 : i32
      %mul3A_70 = arith.muli %scan3A_59, %mul3A_69 : i32
      %get3A_71 = arith.index_cast %mul3A_70 : i32 to index
      %get3A_72 = tpu.vector_load %arg6[%get3A_71] {strides = array<i32>} : memref<1024xi32, #tpu.memory_space<vmem>>, vector<16xi32>,
      %gt3A_73 = arith.cmpf ogt, %gather3A_68, %gather3A_64 : vector<16xf32>
      %convert_element_type3A_74 = arith.extui %gt3A_73 : vector<16xi1> to vector<16xi32>
      %convert_element_type3A_75 = arith.sitofp %convert_element_type3A_74 : vector<16xi32> to vector<16xf32>
      %convert_element_type3A_76 = arith.sitofp %get3A_72 : vector<16xi32> to vector<16xf32>
      %mul3A_77 = arith.mulf %convert_element_type3A_75, %convert_element_type3A_76 : vector<16xf32>
      %add3A_78 = arith.addf %add3A_55, %mul3A_77 : vector<16xf32>
      %add3A_79 = arith.addf %convert_element_type3A_75, %convert_element_type3A_76 : vector<16xf32>
      %add3A_80 = arith.addf %add3A_57, %add3A_79 : vector<16xf32>
      %scan3A_81 = arith.constant 2 : i32
      %scan3A_82 = arith.addi %scan3A_38, %scan3A_81 : i32
      %mul3A_83 = arith.constant 32 : i32
      %mul3A_84 = arith.muli %scan3A_82, %mul3A_83 : i32
      %add3A_85 = vector.broadcast %mul3A_84 : i32 to vector<16xi32>
      %add3A_86 = arith.addi %mul3A_13, %add3A_85 : vector<16xi32>
      %gather3A_87 = tpu.vector_load_idx %arg5[%add3A_86] : memref<2048xf32, #tpu.memory_space<vmem>>[vector<16xi32>], vector<16xf32>,
      %add3A_88 = arith.constant 1 : i32
      %add3A_89 = vector.broadcast %add3A_88 : i32 to vector<16xi32>
      %add3A_90 = arith.addi %add3A_86, %add3A_89 : vector<16xi32>
      %gather3A_91 = tpu.vector_load_idx %arg5[%add3A_90] : memref<2048xf32, #tpu.memory_space<vmem>>[vector<16xi32>], vector<16xf32>,
      %mul3A_92 = arith.constant 16 : i32
      %mul3A_93 = arith.muli %scan3A_82, %mul3A_92 : i32
      %get3A_94 = arith.index_cast %mul3A_93 : i32 to index
      %get3A_95 = tpu.vector_load %arg6[%get3A_94] {strides = array<i32>} : memref<1024xi32, #tpu.memory_space<vmem>>, vector<16xi32>,
      %gt3A_96 = arith.cmpf ogt, %gather3A_91, %gather3A_87 : vector<16xf32>
      %convert_element_type3A_97 = arith.extui %gt3A_96 : vector<16xi1> to vector<16xi32>
      %convert_element_type3A_98 = arith.sitofp %convert_element_type3A_97 : vector<16xi32> to vector<16xf32>
      %convert_element_type3A_99 = arith.sitofp %get3A_95 : vector<16xi32> to vector<16xf32>
      %mul3A_100 = arith.mulf %convert_element_type3A_98, %convert_element_type3A_99 : vector<16xf32>
      %add3A_101 = arith.addf %add3A_78, %mul3A_100 : vector<16xf32>
      %add3A_102 = arith.addf %convert_element_type3A_98, %convert_element_type3A_99 : vector<16xf32>
      %add3A_103 = arith.addf %add3A_80, %add3A_102 : vector<16xf32>
      %scan3A_104 = arith.constant 3 : i32
      %scan3A_105 = arith.addi %scan3A_38, %scan3A_104 : i32
      %mul3A_106 = arith.constant 32 : i32
      %mul3A_107 = arith.muli %scan3A_105, %mul3A_106 : i32
      %add3A_108 = vector.broadcast %mul3A_107 : i32 to vector<16xi32>
      %add3A_109 = arith.addi %mul3A_13, %add3A_108 : vector<16xi32>
      %gather3A_110 = tpu.vector_load_idx %arg5[%add3A_109] : memref<2048xf32, #tpu.memory_space<vmem>>[vector<16xi32>], vector<16xf32>,
      %add3A_111 = arith.constant 1 : i32
      %add3A_112 = vector.broadcast %add3A_111 : i32 to vector<16xi32>
      %add3A_113 = arith.addi %add3A_109, %add3A_112 : vector<16xi32>
      %gather3A_114 = tpu.vector_load_idx %arg5[%add3A_113] : memref<2048xf32, #tpu.memory_space<vmem>>[vector<16xi32>], vector<16xf32>,
      %mul3A_115 = arith.constant 16 : i32
      %mul3A_116 = arith.muli %scan3A_105, %mul3A_115 : i32
      %get3A_117 = arith.index_cast %mul3A_116 : i32 to index
      %get3A_118 = tpu.vector_load %arg6[%get3A_117] {strides = array<i32>} : memref<1024xi32, #tpu.memory_space<vmem>>, vector<16xi32>,
      %gt3A_119 = arith.cmpf ogt, %gather3A_114, %gather3A_110 : vector<16xf32>
      %convert_element_type3A_120 = arith.extui %gt3A_119 : vector<16xi1> to vector<16xi32>
      %convert_element_type3A_121 = arith.sitofp %convert_element_type3A_120 : vector<16xi32> to vector<16xf32>
      %convert_element_type3A_122 = arith.sitofp %get3A_118 : vector<16xi32> to vector<16xf32>
      %mul3A_123 = arith.mulf %convert_element_type3A_121, %convert_element_type3A_122 : vector<16xf32>
      %add3A_124 = arith.addf %add3A_101, %mul3A_123 : vector<16xf32>
      %add3A_125 = arith.addf %convert_element_type3A_121, %convert_element_type3A_122 : vector<16xf32>
      %add3A_126 = arith.addf %add3A_103, %add3A_125 : vector<16xf32>
      scf.yield %add3A_124, %add3A_126 : vector<16xf32>, vector<16xf32>
    }
    %scan3A_19 = arith.constant 64 : i32
    %reduce_sum3A = arith.constant true
    %reduce_sum3A_20 = vector.broadcast %reduce_sum3A : i1 to vector<16xi1>
    %reduce_sum3A_21 = tpu.scan <sum>, %scan3A_18#0 masked %reduce_sum3A_20 : vector<16xf32>, vector<16xi1> -> vector<16xf32>
    %reduce_sum3A_22 = vector.extract %reduce_sum3A_21[15] : f32 from vector<16xf32>
    %broadcast_in_dim3A_23 = vector.broadcast %reduce_sum3A_22 : f32 to vector<16xf32>
    %swap3A = arith.constant 0 : index
    %swap3A_24 = tpu.vector_load %arg7[%swap3A] {strides = array<i32>} : memref<32xf32, #tpu.memory_space<vmem>>, vector<16xf32>,
    tpu.vector_store %arg7[%swap3A], %broadcast_in_dim3A_23 {strides = array<i32>} : memref<32xf32, #tpu.memory_space<vmem>>, vector<16xf32>,
    %reduce_sum3A_25 = arith.constant true
    %reduce_sum3A_26 = vector.broadcast %reduce_sum3A_25 : i1 to vector<16xi1>
    %reduce_sum3A_27 = tpu.scan <sum>, %scan3A_18#1 masked %reduce_sum3A_26 : vector<16xf32>, vector<16xi1> -> vector<16xf32>
    %reduce_sum3A_28 = vector.extract %reduce_sum3A_27[15] : f32 from vector<16xf32>
    %broadcast_in_dim3A_29 = vector.broadcast %reduce_sum3A_28 : f32 to vector<16xf32>
    %swap3A_30 = arith.constant 16 : index
    %swap3A_31 = tpu.vector_load %arg7[%swap3A_30] {strides = array<i32>} : memref<32xf32, #tpu.memory_space<vmem>>, vector<16xf32>,
    tpu.vector_store %arg7[%swap3A_30], %broadcast_in_dim3A_29 {strides = array<i32>} : memref<32xf32, #tpu.memory_space<vmem>>, vector<16xf32>,
    %mul3A_32 = arith.constant 2 : i32
    %mul3A_33 = arith.muli %arg1, %mul3A_32 : i32
    %mul3A_34 = arith.constant 16 : i32
    %mul3A_35 = arith.muli %mul3A_33, %mul3A_34 : i32
    "tpu.region"() ({
      %run_scoped3A = tpu.sem_alloc : memref<!tpu.dma_semaphore, #tpu.memory_space<semaphore_mem>>
      %dma_start3A_38 = tpu.memref_slice %arg8[%mul3A_35] : memref<512xf32, #tpu.memory_space<vmem_shared>> -> memref<32xf32, #tpu.memory_space<vmem_shared>>
      %dma_start3A_39 = tpu.memref_slice %arg8[%mul3A_35] : memref<512xf32, #tpu.memory_space<vmem_shared>> -> memref<32xf32, #tpu.memory_space<vmem_shared>>
      tpu.enqueue_dma source(%arg7 : memref<32xf32, #tpu.memory_space<vmem>>) target(%dma_start3A_39 : memref<32xf32, #tpu.memory_space<vmem_shared>>) target_semaphore(%run_scoped3A : memref<!tpu.dma_semaphore, #tpu.memory_space<semaphore_mem>>)
      %dma_wait3A_40 = tpu.memref_slice %arg8[%mul3A_35] : memref<512xf32, #tpu.memory_space<vmem_shared>> -> memref<32xf32, #tpu.memory_space<vmem_shared>>
      %dma_wait3A_41 = tpu.memref_slice %arg8[%mul3A_35] : memref<512xf32, #tpu.memory_space<vmem_shared>> -> memref<32xf32, #tpu.memory_space<vmem_shared>>
      tpu.wait_dma2 semaphore(%run_scoped3A : memref<!tpu.dma_semaphore, #tpu.memory_space<semaphore_mem>>) src(%arg7 : memref<32xf32, #tpu.memory_space<vmem>>) dst(%dma_wait3A_41 : memref<32xf32, #tpu.memory_space<vmem_shared>>)
      tpu.yield
    }) : () -> ()
    %barrier3A = arith.constant 0 : index
    tpu.barrier barrier_id(%barrier3A)
    %eq3A = arith.constant 0 : i32
    %eq3A_36 = arith.cmpi eq, %arg1, %eq3A : i32
    %convert_element_type3A = arith.extui %eq3A_36 : i1 to i32
    %cond3A = arith.constant 0 : i32
    %cond3A_37 = arith.cmpi ne, %convert_element_type3A, %cond3A : i32
    scf.if %cond3A_37 {
      "tpu.region"() ({
        %run_scoped3A = tpu.sem_alloc : memref<!tpu.dma_semaphore, #tpu.memory_space<semaphore_mem>>
        tpu.enqueue_dma source(%arg8 : memref<512xf32, #tpu.memory_space<vmem_shared>>) target(%arg9 : memref<512xf32, #tpu.memory_space<vmem>>) target_semaphore(%run_scoped3A : memref<!tpu.dma_semaphore, #tpu.memory_space<semaphore_mem>>)
        tpu.wait_dma2 semaphore(%run_scoped3A : memref<!tpu.dma_semaphore, #tpu.memory_space<semaphore_mem>>) src(%arg8 : memref<512xf32, #tpu.memory_space<vmem_shared>>) dst(%arg9 : memref<512xf32, #tpu.memory_space<vmem>>)
        tpu.yield
      }) : () -> ()
      %broadcast_in_dim3A_38 = arith.constant 0.000000e+00 : f32
      %broadcast_in_dim3A_39 = vector.broadcast %broadcast_in_dim3A_38 : f32 to vector<16xf32>
      %broadcast_in_dim3A_40 = arith.constant 0.000000e+00 : f32
      %broadcast_in_dim3A_41 = vector.broadcast %broadcast_in_dim3A_40 : f32 to vector<16xf32>
      %get3A = arith.constant 0 : index
      %get3A_42 = tpu.vector_load %arg9[%get3A] {strides = array<i32>} : memref<512xf32, #tpu.memory_space<vmem>>, vector<16xf32>,
      %add3A = arith.addf %broadcast_in_dim3A_39, %get3A_42 : vector<16xf32>
      %get3A_43 = arith.constant 16 : index
      %get3A_44 = tpu.vector_load %arg9[%get3A_43] {strides = array<i32>} : memref<512xf32, #tpu.memory_space<vmem>>, vector<16xf32>,
      %add3A_45 = arith.addf %broadcast_in_dim3A_41, %get3A_44 : vector<16xf32>
      %get3A_46 = arith.constant 32 : index
      %get3A_47 = tpu.vector_load %arg9[%get3A_46] {strides = array<i32>} : memref<512xf32, #tpu.memory_space<vmem>>, vector<16xf32>,
      %add3A_48 = arith.addf %add3A, %get3A_47 : vector<16xf32>
      %get3A_49 = arith.constant 48 : index
      %get3A_50 = tpu.vector_load %arg9[%get3A_49] {strides = array<i32>} : memref<512xf32, #tpu.memory_space<vmem>>, vector<16xf32>,
      %add3A_51 = arith.addf %add3A_45, %get3A_50 : vector<16xf32>
      %get3A_52 = arith.constant 64 : index
      %get3A_53 = tpu.vector_load %arg9[%get3A_52] {strides = array<i32>} : memref<512xf32, #tpu.memory_space<vmem>>, vector<16xf32>,
      %add3A_54 = arith.addf %add3A_48, %get3A_53 : vector<16xf32>
      %get3A_55 = arith.constant 80 : index
      %get3A_56 = tpu.vector_load %arg9[%get3A_55] {strides = array<i32>} : memref<512xf32, #tpu.memory_space<vmem>>, vector<16xf32>,
      %add3A_57 = arith.addf %add3A_51, %get3A_56 : vector<16xf32>
      %get3A_58 = arith.constant 96 : index
      %get3A_59 = tpu.vector_load %arg9[%get3A_58] {strides = array<i32>} : memref<512xf32, #tpu.memory_space<vmem>>, vector<16xf32>,
      %add3A_60 = arith.addf %add3A_54, %get3A_59 : vector<16xf32>
      %get3A_61 = arith.constant 112 : index
      %get3A_62 = tpu.vector_load %arg9[%get3A_61] {strides = array<i32>} : memref<512xf32, #tpu.memory_space<vmem>>, vector<16xf32>,
      %add3A_63 = arith.addf %add3A_57, %get3A_62 : vector<16xf32>
      %get3A_64 = arith.constant 128 : index
      %get3A_65 = tpu.vector_load %arg9[%get3A_64] {strides = array<i32>} : memref<512xf32, #tpu.memory_space<vmem>>, vector<16xf32>,
      %add3A_66 = arith.addf %add3A_60, %get3A_65 : vector<16xf32>
      %get3A_67 = arith.constant 144 : index
      %get3A_68 = tpu.vector_load %arg9[%get3A_67] {strides = array<i32>} : memref<512xf32, #tpu.memory_space<vmem>>, vector<16xf32>,
      %add3A_69 = arith.addf %add3A_63, %get3A_68 : vector<16xf32>
      %get3A_70 = arith.constant 160 : index
      %get3A_71 = tpu.vector_load %arg9[%get3A_70] {strides = array<i32>} : memref<512xf32, #tpu.memory_space<vmem>>, vector<16xf32>,
      %add3A_72 = arith.addf %add3A_66, %get3A_71 : vector<16xf32>
      %get3A_73 = arith.constant 176 : index
      %get3A_74 = tpu.vector_load %arg9[%get3A_73] {strides = array<i32>} : memref<512xf32, #tpu.memory_space<vmem>>, vector<16xf32>,
      %add3A_75 = arith.addf %add3A_69, %get3A_74 : vector<16xf32>
      %get3A_76 = arith.constant 192 : index
      %get3A_77 = tpu.vector_load %arg9[%get3A_76] {strides = array<i32>} : memref<512xf32, #tpu.memory_space<vmem>>, vector<16xf32>,
      %add3A_78 = arith.addf %add3A_72, %get3A_77 : vector<16xf32>
      %get3A_79 = arith.constant 208 : index
      %get3A_80 = tpu.vector_load %arg9[%get3A_79] {strides = array<i32>} : memref<512xf32, #tpu.memory_space<vmem>>, vector<16xf32>,
      %add3A_81 = arith.addf %add3A_75, %get3A_80 : vector<16xf32>
      %get3A_82 = arith.constant 224 : index
      %get3A_83 = tpu.vector_load %arg9[%get3A_82] {strides = array<i32>} : memref<512xf32, #tpu.memory_space<vmem>>, vector<16xf32>,
      %add3A_84 = arith.addf %add3A_78, %get3A_83 : vector<16xf32>
      %get3A_85 = arith.constant 240 : index
      %get3A_86 = tpu.vector_load %arg9[%get3A_85] {strides = array<i32>} : memref<512xf32, #tpu.memory_space<vmem>>, vector<16xf32>,
      %add3A_87 = arith.addf %add3A_81, %get3A_86 : vector<16xf32>
      %get3A_88 = arith.constant 256 : index
      %get3A_89 = tpu.vector_load %arg9[%get3A_88] {strides = array<i32>} : memref<512xf32, #tpu.memory_space<vmem>>, vector<16xf32>,
      %add3A_90 = arith.addf %add3A_84, %get3A_89 : vector<16xf32>
      %get3A_91 = arith.constant 272 : index
      %get3A_92 = tpu.vector_load %arg9[%get3A_91] {strides = array<i32>} : memref<512xf32, #tpu.memory_space<vmem>>, vector<16xf32>,
      %add3A_93 = arith.addf %add3A_87, %get3A_92 : vector<16xf32>
      %get3A_94 = arith.constant 288 : index
      %get3A_95 = tpu.vector_load %arg9[%get3A_94] {strides = array<i32>} : memref<512xf32, #tpu.memory_space<vmem>>, vector<16xf32>,
      %add3A_96 = arith.addf %add3A_90, %get3A_95 : vector<16xf32>
      %get3A_97 = arith.constant 304 : index
      %get3A_98 = tpu.vector_load %arg9[%get3A_97] {strides = array<i32>} : memref<512xf32, #tpu.memory_space<vmem>>, vector<16xf32>,
      %add3A_99 = arith.addf %add3A_93, %get3A_98 : vector<16xf32>
      %get3A_100 = arith.constant 320 : index
      %get3A_101 = tpu.vector_load %arg9[%get3A_100] {strides = array<i32>} : memref<512xf32, #tpu.memory_space<vmem>>, vector<16xf32>,
      %add3A_102 = arith.addf %add3A_96, %get3A_101 : vector<16xf32>
      %get3A_103 = arith.constant 336 : index
      %get3A_104 = tpu.vector_load %arg9[%get3A_103] {strides = array<i32>} : memref<512xf32, #tpu.memory_space<vmem>>, vector<16xf32>,
      %add3A_105 = arith.addf %add3A_99, %get3A_104 : vector<16xf32>
      %get3A_106 = arith.constant 352 : index
      %get3A_107 = tpu.vector_load %arg9[%get3A_106] {strides = array<i32>} : memref<512xf32, #tpu.memory_space<vmem>>, vector<16xf32>,
      %add3A_108 = arith.addf %add3A_102, %get3A_107 : vector<16xf32>
      %get3A_109 = arith.constant 368 : index
      %get3A_110 = tpu.vector_load %arg9[%get3A_109] {strides = array<i32>} : memref<512xf32, #tpu.memory_space<vmem>>, vector<16xf32>,
      %add3A_111 = arith.addf %add3A_105, %get3A_110 : vector<16xf32>
      %get3A_112 = arith.constant 384 : index
      %get3A_113 = tpu.vector_load %arg9[%get3A_112] {strides = array<i32>} : memref<512xf32, #tpu.memory_space<vmem>>, vector<16xf32>,
      %add3A_114 = arith.addf %add3A_108, %get3A_113 : vector<16xf32>
      %get3A_115 = arith.constant 400 : index
      %get3A_116 = tpu.vector_load %arg9[%get3A_115] {strides = array<i32>} : memref<512xf32, #tpu.memory_space<vmem>>, vector<16xf32>,
      %add3A_117 = arith.addf %add3A_111, %get3A_116 : vector<16xf32>
      %get3A_118 = arith.constant 416 : index
      %get3A_119 = tpu.vector_load %arg9[%get3A_118] {strides = array<i32>} : memref<512xf32, #tpu.memory_space<vmem>>, vector<16xf32>,
      %add3A_120 = arith.addf %add3A_114, %get3A_119 : vector<16xf32>
      %get3A_121 = arith.constant 432 : index
      %get3A_122 = tpu.vector_load %arg9[%get3A_121] {strides = array<i32>} : memref<512xf32, #tpu.memory_space<vmem>>, vector<16xf32>,
      %add3A_123 = arith.addf %add3A_117, %get3A_122 : vector<16xf32>
      %get3A_124 = arith.constant 448 : index
      %get3A_125 = tpu.vector_load %arg9[%get3A_124] {strides = array<i32>} : memref<512xf32, #tpu.memory_space<vmem>>, vector<16xf32>,
      %add3A_126 = arith.addf %add3A_120, %get3A_125 : vector<16xf32>
      %get3A_127 = arith.constant 464 : index
      %get3A_128 = tpu.vector_load %arg9[%get3A_127] {strides = array<i32>} : memref<512xf32, #tpu.memory_space<vmem>>, vector<16xf32>,
      %add3A_129 = arith.addf %add3A_123, %get3A_128 : vector<16xf32>
      %get3A_130 = arith.constant 480 : index
      %get3A_131 = tpu.vector_load %arg9[%get3A_130] {strides = array<i32>} : memref<512xf32, #tpu.memory_space<vmem>>, vector<16xf32>,
      %add3A_132 = arith.addf %add3A_126, %get3A_131 : vector<16xf32>
      %get3A_133 = arith.constant 496 : index
      %get3A_134 = tpu.vector_load %arg9[%get3A_133] {strides = array<i32>} : memref<512xf32, #tpu.memory_space<vmem>>, vector<16xf32>,
      %add3A_135 = arith.addf %add3A_129, %get3A_134 : vector<16xf32>
      %mul3A_136 = arith.constant 2.000000e+00 : f32
      %mul3A_137 = vector.broadcast %mul3A_136 : f32 to vector<16xf32>
      %mul3A_138 = arith.mulf %mul3A_137, %add3A_132 : vector<16xf32>
      %add3A_139 = arith.constant 1.000000e-10 : f32
      %add3A_140 = vector.broadcast %add3A_139 : f32 to vector<16xf32>
      %add3A_141 = arith.addf %add3A_135, %add3A_140 : vector<16xf32>
      %div3A = arith.divf %mul3A_138, %add3A_141 : vector<16xf32>
      %swap3A_142 = arith.constant 0 : index
      %swap3A_143 = tpu.vector_load %arg10[%swap3A_142] {strides = array<i32>} : memref<16xf32, #tpu.memory_space<vmem>>, vector<16xf32>,
      tpu.vector_store %arg10[%swap3A_142], %div3A {strides = array<i32>} : memref<16xf32, #tpu.memory_space<vmem>>, vector<16xf32>,
      "tpu.region"() ({
        %run_scoped3A = tpu.sem_alloc : memref<!tpu.dma_semaphore, #tpu.memory_space<semaphore_mem>>
        tpu.enqueue_dma source(%arg10 : memref<16xf32, #tpu.memory_space<vmem>>) target(%arg4 : memref<16xf32, #tpu.memory_space<hbm>>) target_semaphore(%run_scoped3A : memref<!tpu.dma_semaphore, #tpu.memory_space<semaphore_mem>>)
        tpu.wait_dma2 semaphore(%run_scoped3A : memref<!tpu.dma_semaphore, #tpu.memory_space<semaphore_mem>>) src(%arg10 : memref<16xf32, #tpu.memory_space<vmem>>) dst(%arg4 : memref<16xf32, #tpu.memory_space<hbm>>)
        tpu.yield
      }) : () -> ()
    } else {
    }
    return
  }
}

</mosaic_0001>

<sc_bundles>
// kernel: _f1_sc.3.cloned.1.call-start
scs
__scs_entry_jumppad:
0x0: {  	(pc) =	sbr.rel $0x88, $3  }
0x1: {  	(tag) =	ssettag $0x0;
	lr =	simm.s32 $0x1  }
0x2: {  	[smem:$0x3F9F] =	sst lr;
	_ =	strace $0xD0000000  }
0x3: {  	_ = 	snop  }
0x4: {  	_ = 	snop  }
0x5: {  	_ = 	snop  }
0x6: {  	_ = 	snop  }
0x7: {  	_ = 	snop  }
__scs_overlays_trampoline_lowered:
0x8: {  	[smem:$0x3FAE] =	sst s0  }
0x9: {  	[smem:$0x3FAF] =	sst s1  }
0xa: {  	[smem:$0x3FB0] =	sst s2  }
0xb: {  	[smem:$0x3FB1] =	sst s3  }
0xc: {  	[smem:$0x3FB2] =	sst s4  }
0xd: {  	[smem:$0x3FB3] =	sst s5  }
0xe: {  	[smem:$0x3FB4] =	sst s6  }
0xf: {  	[smem:$0x3FB5] =	sst s7  }
0x10: {  	[smem:$0x3FB6] =	sst s8  }
0x11: {  	[smem:$0x3FB7] =	sst s9;
	s0 =	simm.s32 @!p0 $0x0  }
0x12: {  	s1 =	sld [smem:$0x3F9D];
	s0 =	simm.s32 @p0 $0x1  }
0x13: {  	[smem:$0x3FB8] =	sst s0;
	s0 =	simm.s32 @!p1 $0x0  }
0x14: {  	s2 =	sld [smem:$0x3F9C];
	s0 =	simm.s32 @p1 $0x1  }
0x15: {  	[smem:$0x3FB9] =	sst s0;
	s0 =	simm.s32 @!p2 $0x0  }
0x16: {  	s3 =	sld [smem:$0x3FDB];
	s0 =	simm.s32 @p2 $0x1  }
0x17: {  	s4 =	simm.s32 $0x1BF5;
	[smem:$0x3FBB] =	sst s0  }
0x18: {  	s0 =	sld [smem:$0x3F9E];
	_ =	swait.ge [sflag:s4], $0x0  }
0x19: {  	s7 =	sld [smem:$0x3F9F]  }
0x1a: {  	s8 =	sadd.s32 $0xFFFFE003, lr  }
0x1b: {  	s9 =	sadd.s32 $0xFFFFFEF7, lr;
	s5 =	simm.s32 $0xFFFFFFFF;
	p2 =	slt.u32 s8, $0xFFFFF086  }
0x1c: {  	p1 =	slt.u32 s9, $0xF7A;
	s5 =	simm.s32 @!p2 $0x0  }
0x1d: {  	s5 =	simm.s32 @p1 $0x1;
	p0 =	seq.s32 s7, s2  }
0x1e: {  	s7 =	smul.u32 @!p0 $0xF7A, s2;
	p2 =	seq.s32 @!p0 s5, $0x0  }
0x1f: {  	s9 =	smul.u32 $0xF7A, s1;
	s8 =	simm.s32 @!p0 $0x1BF5;
	p2 =	por !p2, p0  }
0x20: {  	[sflag:s8] =	ssyncset.s32 @!p0 $0xFFFFF086;
	s6 =	sadd.s32 @!p0 s3, s7;
	s7 =	simm.s32 @!p0 $0x108  }
0x21: {  	s3 =	sadd.s32 s3, s9;
	s6 =	sadd.s32 @!p0 $0x88, s6;
	s7 =	simm.s32 @p2 $0x1082  }
0x22: {  	[simem:s7], [sflag:s8] =	dma.local @!p0 [hbm:s6], $0xF7A  }
0x23: {  	s9 =	sor.u32 $0xD0000000, s2;
	s6 =	simm.s32 $0x108;
	_ =	swait.ge @!p0 [sflag:s8], $0x0  }
0x24: {  	s3 =	sadd.s32 $0x88, s3;
	s6 =	simm.s32 @!p1 $0x1082;
	[sflag:s4] =	ssyncset.s32 $0xFFFFF086  }
0x25: {  	[simem:s6], [sflag:s4] =	dma.local [hbm:s3], $0xF7A  }
0x26: {  	[smem:$0x3F9F] =	sst s1;
	(tag) =	ssettag s2;
	_ =	strace s9  }
0x27: {  	s1 =	sld [smem:$0x3FAF]  }
0x28: {  	s2 =	sld [smem:$0x3FB0]  }
0x29: {  	s4 =	sld [smem:$0x3FB2]  }
0x2a: {  	p0 =	seq.s32 s5, $0x0;
	s5 =	sld [smem:$0x3FB3]  }
0x2b: {  	s6 =	sld [smem:$0x3FB4]  }
0x2c: {  	s7 =	sld [smem:$0x3FB5]  }
0x2d: {  	s3 =	simm.s32 $0x108;
	s8 =	sld [smem:$0x3FB6]  }
0x2e: {  	s3 =	simm.s32 @!p0 $0x1082;
	s9 =	sld [smem:$0x3FB7]  }
0x2f: {  	lr =	sadd.s32 s0, s3;
	s0 =	sld [smem:$0x3FAE]  }
0x30: {  	s3 =	sld [smem:$0x3FB1]  }
0x31: {  	[smem:$0x3FBA] =	sst s10  }
0x32: {  	s10 =	sld [smem:$0x3FB8];
	_ =	sdelay $0x3  }
0x33: {  	p0 =	seq.s32 s10, $0x1;
	s10 =	sld [smem:$0x3FBA];
	_ =	sdelay $0x3  }
0x34: {  	[smem:$0x3FBA] =	sst s10  }
0x35: {  	s10 =	sld [smem:$0x3FB9];
	_ =	sdelay $0x3  }
0x36: {  	p1 =	seq.s32 s10, $0x1;
	s10 =	sld [smem:$0x3FBA];
	_ =	sdelay $0x3  }
0x37: {  	[smem:$0x3FBA] =	sst s10  }
0x38: {  	s10 =	sld [smem:$0x3FBB]  }
0x39: {  	_ = 	snop;
	(pc) =	sbr.ind lr, $3  }
0x3a: {  	_ = 	snop  }
0x3b: {  	_ = 	snop  }
0x3c: {  	p2 =	seq.s32 s10, $0x1;
	s10 =	sld [smem:$0x3FBA]  }
0x3d: {  	_ =	shalt  }
0x3e: {  	_ =	shalt  }
0x3f: {  	_ =	shalt  }
0x40: {  	_ =	shalt  }
0x41: {  	_ =	shalt  }
0x42: {  	_ =	shalt  }
0x43: {  	_ =	shalt  }
0x44: {  	_ =	shalt  }
0x45: {  	_ =	shalt  }
0x46: {  	_ =	shalt  }
0x47: {  	_ =	shalt  }
0x48: {  	_ =	shalt  }
0x49: {  	_ =	shalt  }
0x4a: {  	_ =	shalt  }
0x4b: {  	_ =	shalt  }
0x4c: {  	_ =	shalt  }
0x4d: {  	_ =	shalt  }
0x4e: {  	_ =	shalt  }
0x4f: {  	_ =	shalt  }
0x50: {  	_ =	shalt  }
0x51: {  	_ =	shalt  }
0x52: {  	_ =	shalt  }
0x53: {  	_ =	shalt  }
0x54: {  	_ =	shalt  }
0x55: {  	_ =	shalt  }
0x56: {  	_ =	shalt  }
0x57: {  	_ =	shalt  }
0x58: {  	_ =	shalt  }
0x59: {  	_ =	shalt  }
0x5a: {  	_ =	shalt  }
0x5b: {  	_ =	shalt  }
0x5c: {  	_ =	shalt  }
0x5d: {  	_ =	shalt  }
0x5e: {  	_ =	shalt  }
0x5f: {  	_ =	shalt  }
0x60: {  	_ =	shalt  }
0x61: {  	_ =	shalt  }
0x62: {  	_ =	shalt  }
0x63: {  	_ =	shalt  }
0x64: {  	_ =	shalt  }
0x65: {  	_ =	shalt  }
0x66: {  	_ =	shalt  }
0x67: {  	_ =	shalt  }
0x68: {  	_ =	shalt  }
0x69: {  	_ =	shalt  }
0x6a: {  	_ =	shalt  }
0x6b: {  	_ =	shalt  }
0x6c: {  	_ =	shalt  }
0x6d: {  	_ =	shalt  }
0x6e: {  	_ =	shalt  }
0x6f: {  	_ =	shalt  }
0x70: {  	_ =	shalt  }
0x71: {  	_ =	shalt  }
0x72: {  	_ =	shalt  }
0x73: {  	_ =	shalt  }
0x74: {  	_ =	shalt  }
0x75: {  	_ =	shalt  }
0x76: {  	_ =	shalt  }
0x77: {  	_ =	shalt  }
0x78: {  	_ =	shalt  }
0x79: {  	_ =	shalt  }
0x7a: {  	_ =	shalt  }
0x7b: {  	_ =	shalt  }
0x7c: {  	_ =	shalt  }
0x7d: {  	_ =	shalt  }
0x7e: {  	_ =	shalt  }
0x7f: {  	_ =	shalt  }
0x80: {  	_ =	shalt  }
0x81: {  	_ =	shalt  }
0x82: {  	_ =	shalt  }
0x83: {  	_ =	shalt  }
0x84: {  	_ =	shalt  }
0x85: {  	_ =	shalt  }
0x86: {  	_ =	shalt  }
0x87: {  	_ =	shalt  }
.Lfunc_end0:
.L_simem_size_0:
called_computation_lowered:
.L_overlay_start_0:
0x88: {  	s0 =	sld [smem:$0x3FD9]  }
0x89: {  	s1 =	sld [smem:$0x3FFE];
	_ =	sdelay $0x3  }
0x8a: {  	s0 =	sadd.s32 s1, s0  }
0x8b: {  	[smem:$0x3FC6] =	sst s0  }
0x8c: {  	_ = 	snop  }
0x8d: {  	s0 =	sld [smem:$0x3FC9]  }
0x8e: {  	s17 =	sld [smem:$0x3FC8]  }
0x8f: {  	s2 =	sld [smem:$0x3FD0];
	(tm) =	ssettm $0x1  }
0x90: {  	s3 =	sld [smem:$0x3FFB];
	_ =	sdelay $0x3  }
0x91: {  	_ =	strace s3  }
0x92: {  	s3 =	sld [smem:$0x3FFC];
	_ =	sdelay $0x3  }
0x93: {  	_ =	strace s3  }
0x94: {  	s3 =	sld [smem:$0x3FFD];
	_ =	sdelay $0x3  }
0x95: {  	_ =	strace s3  }
0x96: {  	_ =	strace $0x8FFFFFFF  }
0x97: {  	s18 =	sld [smem:$0x3FDB];
	_ =	sdelay $0x1  }
0x98: {  	s4 =	simm.s32 $_scs_section_size  }
0x99: {  	s5 =	simm.s32 $_size__tile_overlayer_lowered;
	s6 =	simm.s32 $_tile_overlayer_lowered  }
0x9a: {  	s21 =	simm.s32 $0x1BFF;
	s20 =	sshll.u32 s6, $0x1;
	s3 =	sadd.s32 s4, s18  }
0x9b: {  	s7 =	simm.s32 $0x0;
	s19 =	sshll.u32 s5, $0x1;
	s5 =	sadd.s32 s20, s3  }
0x9c: {  	[timem:s7], [sflag:s21] =	dma.local [hbm:s5], s19  }
0x9d: {  	_ =	swait.ge [sflag:s21], s19  }
0x9e: {  	s4 =	ssub.s32 $0x0, s19;
	[sflag:s21] =	ssyncset.done $0x0  }
0x9f: {  	[sflag:s21] =	ssyncadd.s32 s4;
	_ =	sdelay $0x1  }
0xa0: {  	s22 =	simm.s32 $0x1B8B  }
0xa1: {  	_ =	swait.ge [sflag:s22], $0x1  }
0xa2: {  	[sflag:s22] =	ssyncset.done $0x0  }
0xa3: {  	s23 =	simm.s32 $0x1B8E;
	[sflag:s22] =	ssyncadd.s32 $0xFFFFFFFF  }
0xa4: {  	s24 =	simm.s32 $execute0_lowered;
	[smem:$0x3FD2] =	sst s23  }
0xa5: {  	s4 =	sshll.u32 s24, $0x1;
	_ =	strace $0x80000046;
	[dreg:$0x1] =	wrdreg $0xFFFFFFFF  }
0xa6: {  	s25 =	simm.s32 $_size_execute0_lowered;
	s3 =	sadd.s32 s3, s4;
	[dreg:$0x0] =	wrdreg $0x0  }
0xa7: {  	s4 =	sshll.u32 s25, $0x1;
	[dreg:$0x2] =	wrdreg s3  }
0xa8: {  	[dreg:$0x3] =	wrdreg s4  }
0xa9: {  	[dreg:$0x4] =	wrdreg $0xC0  }
0xaa: {  	_ =	task [dreg:s7], $0x5FFFF  }
0xab: {  	[dreg:$0x1] =	wrdreg $0xFFFFFFFF  }
0xac: {  	[dreg:$0x0] =	wrdreg $0x60  }
0xad: {  	[dreg:$0x2] =	wrdreg s0  }
0xae: {  	[dreg:$0x3] =	wrdreg s17  }
0xaf: {  	[dreg:$0x4] =	wrdreg s2  }
0xb0: {  	[dreg:$0x5] =	wrdreg $0xC800  }
0xb1: {  	[dreg:$0x6] =	wrdreg $0x9  }
0xb2: {  	_ =	task.clear_ibuf [dreg:s7], $0x7FFFF;
	_ =	strace $0x90000046  }
0xb3: {  	s26 =	simm.s32 $0x9;
	_ =	strace $0x80000048  }
0xb4: {  	_ =	swait.ge [sflag:s26], $0x1  }
0xb5: {  	[sflag:s26] =	ssyncadd.s32 $0xFFFFFFFF  }
0xb6: {  	_ =	strace $0x90000048  }
0xb7: {  	_ =	sfence  }
0xb8: {  	s28 =	sld [smem:$0x0];
	_ =	sdelay $0x1  }
0xb9: {  	s29 =	srdreg.scid  }
0xba: {  	s30 =	sshll.u32 s29, $0xD;
	s31 =	sshrl.u32 s29, $0x2  }
0xbb: {  	s1 =	sand.u32 $0x1, s29;
	s2 =	sand.u32 $0x4000, s30;
	s0 =	sadd.s32 s31, s28  }
0xbc: {  	s1 =	sor.u32 s2, s1;
	s0 =	sshll.u32 s0, $0x11  }
0xbd: {  	s0 =	sor.u32 s0, s1  }
0xbe: {  	s0 =	sadd.s32 $0x8F2B, s0  }
0xbf: {  	[sflag:s0] =	ssyncadd.remote.s32 $0x1  }
0xc0: {  	_ =	sfence.sel $0xFFFF  }
0xc1: {  	[dreg:$0x0] =	wrdreg $0xFFFFFFFF;
	(pc) =	sbr.abs _section_cstart, $3  }
0xc2: {  	[dreg:$0x1] =	wrdreg $0xFFFFFFFF  }
0xc3: {  	_ =	task.clear_ibuf [dreg:s7], $0x2FFFF;
	_ =	strace $0x9FFFFFFF  }
0xc4: {  	(tm) =	ssettm $0x7FFFFFFF  }
0xc5: {  	_ =	shalt  }
tec
execute0_lowered:
.L_overlay_start_1:
0x0: {  	(tag) =	ssettag $0x1  }
0x1: {  	s4 =	rddreg [dreg:$0x0]  }
0x2: {  	s6 =	rddreg [dreg:$0x1]  }
0x3: {  	s1 =	rddreg [dreg:$0x2]  }
0x4: {  	s2 =	rddreg [dreg:$0x3]  }
0x5: {  	s0 =	rddreg [dreg:$0x4];
	s5 =	simm.s32 $0x0;
	s3 =	stileid.u32  }
0x6: {  	[smem:$0x7FF] =	sst s5;
	s7 =	sshll.u32 s3, $0x8  }
0x7: {  	_ =	strace $0x80000047;
	s7 =	sadd.s32 s4, s7;
	s4 =	sshll.u32 s3, $0x7  }
0x8: {  	[tilespmem:s5], [sflag:$0x1] =	stream.linear.gather [hbm4b:s7+s5], $0x800, $0x38;
	[tilespmem:$0xF20] =	vst v63  }
0x9: {  	s21 =	simm.s32 $0x800;
	s22 =	simm.s32 $0x1;
	s6 =	sadd.s32 s6, s4  }
0xa: {  	[tilespmem:s21], [sflag:$0x2] =	stream.linear.gather [hbm4b:s6+s5], $0x400, $0x38;
	[tilespmem:$0xF20] =	vst v63  }
0xb: {  	_ =	swait.ge [sflag:s22], $0x800  }
0xc: {  	v0 =	vlaneseq.u32;
	[sflag:s22] =	ssyncset.done $0x0  }
0xd: {  	s23 =	simm.s32 $0x2;
	v1 =	vmul.u32 $0x2, v0;
	[sflag:s22] =	ssyncadd.s32 $0xFFFFF800  }
0xe: {  	_ =	swait.ge [sflag:s23], $0x400  }
0xf: {  	v2 =	vor.u32 $0x1, v1;
	v0 =	vor.u32 s5, v1;
	[sflag:s23] =	ssyncset.done $0x0  }
0x10: {  	s24 =	simm.s32 $0x820;
	s25 =	simm.s32 $0x40;
	v6 =	vor.u32 s5, v2;
	[sflag:s23] =	ssyncadd.s32 $0xFFFFFC00  }
0x11: {  	v3 =	vor.u32 $0x41, v1;
	v7 =	vor.u32 s25, v1;
	v8 =	vld [tilespmem:s24+$0x0]  }
0x12: {  	s8 =	simm.s32 $0x20;
	v9 =	vor.u32 s25, v3;
	v10 =	vld [tilespmem:s24+$0xFFFFFFF0]  }
0x13: {  	v4 =	vor.u32 $0x21, v1;
	v11 =	vor.u32 s8, v1;
	v12 =	vld [tilespmem:s24+$0xFFFFFFE0]  }
0x14: {  	s26 =	simm.s32 $0x60;
	v13 =	vor.u32 s8, v4;
	v14 =	vld.idx.msk [tilespmem:v0+s5+$0x0], $0xffff  }
0x15: {  	v15 =	vor.u32 s26, v1;
	v16 =	vld.idx.msk [tilespmem:v6+s5+$0x0], $0xffff  }
0x16: {  	v17 =	vld.idx.msk [tilespmem:v7+s5+$0x0], $0xffff  }
0x17: {  	v5 =	vor.u32 $0x61, v1;
	v18 =	vld.idx.msk [tilespmem:v9+s5+$0x0], $0xffff  }
0x18: {  	v6 =	vor.u32 s26, v5;
	v11 =	vld.idx.msk [tilespmem:v11+s5+$0x0], $0xffff  }
0x19: {  	s28 =	simm.s32 $0x80;
	v19 =	vld.idx.msk [tilespmem:v13+s5+$0x0], $0xffff  }
0x1a: {  	v20 =	vimm.f32 $0.0e+00;
	s29 =	simm.s32 $0xC0;
	s31 =	simm.s32 $0xA0;
	v21 =	vor.u32 s28, v1;
	v15 =	vld.idx.msk [tilespmem:v15+s5+$0x0], $0xffff  }
0x1b: {  	s30 =	simm.s32 $0xE0;
	v23 =	vor.u32 s29, v1;
	v27 =	vor.u32 s31, v1;
	v22 =	vor.u32 s28, v2;
	s6 =	simm.s32 $0x860;
	v26 =	vld [tilespmem:s24+$0x10]  }
0x1c: {  	v25 =	vor.u32 s29, v3;
	v0 =	vimm.s32 $0x0;
	v9 =	vor.u32 s30, v1;
	v7 =	vld [tilespmem:s6+$0x0]  }
0x1d: {  	v13 =	vor.u32 s31, v4;
	v24 =	vld.idx.msk [tilespmem:v6+s5+$0x0], $0xffff;
	v6 =	vor.u32 s30, v5;
	v28 =	vcvt.s32.f32 v8  }
0x1e: {  	v8 =	vld [tilespmem:s6+$0xFFFFFFF0];
	vm0 =	vgt.f32 v16, v14;
	v12 =	vcvt.s32.f32 v12;
	v16 =	vcvt.s32.f32 v10  }
0x1f: {  	v10 =	vld [tilespmem:s6+$0xFFFFFFE0];
	vm14 =	vgt.f32 v19, v11;
	vm1 =	vgt.f32 v18, v17;
	v14 =	vsel vm0, $0x3F800000, v0  }
0x20: {  	v19 =	vsel vm14, $0x3F800000, v0;
	v17 =	vmul.f32 v12, v14;
	v18 =	vadd.f32 v12, v14;
	v14 =	vld.idx.msk [tilespmem:v22+s5+$0x0], $0xffff  }
0x21: {  	v29 =	vsel vm1, $0x3F800000, v0;
	v22 =	vadd.f32 v16, v19;
	v12 =	vld.idx.msk [tilespmem:v23+s5+$0x0], $0xffff;
	v23 =	vmul.f32 v16, v19  }
0x22: {  	v11 =	vld.idx.msk [tilespmem:v21+s5+$0x0], $0xffff;
	v21 =	vadd.f32 v17, v20;
	v20 =	vadd.f32 v18, v20;
	vm15 =	vgt.f32 v24, v15  }
0x23: {  	v19 =	vcvt.s32.f32 v26;
	v16 =	vld.idx.msk [tilespmem:v27+s5+$0x0], $0xffff;
	v17 =	vadd.f32 v28, v29;
	v18 =	vsel vm15, $0x3F800000, v0  }
0x24: {  	s7 =	simm.s32 $0x4;
	s8 =	simm.s32 $0x100;
	v15 =	vld.idx.msk [tilespmem:v25+s5+$0x0], $0xffff;
	v21 =	vadd.f32 v23, v21;
	v20 =	vadd.f32 v22, v20;
	v22 =	vmul.f32 v28, v29  }
.LBB2_1:
0x25: {  	v23 =	vor.u32 s8, v1;
	v24 =	vor.u32 s8, v2;
	v25 =	vld.idx.msk [tilespmem:v13+s5+$0x0], $0xffff;
	v13 =	vadd.f32 v19, v18  }
0x26: {  	s9 =	sadd.s32 $0x40, s8;
	s10 =	sadd.s32 $0x60, s8;
	v18 =	vmul.f32 v19, v18;
	v26 =	vld.idx.msk [tilespmem:v9+s5+$0x0], $0xffff;
	v21 =	vadd.f32 v22, v21;
	v17 =	vadd.f32 v17, v20  }
0x27: {  	v19 =	vor.u32 s9, v1;
	v9 =	vor.u32 s10, v1;
	v20 =	vld.idx.msk [tilespmem:v6+s5+$0x0], $0xffff;
	v6 =	vor.u32 s10, v5  }
0x28: {  	v22 =	vor.u32 s9, v3;
	s10 =	sadd.s32 $0x20, s8;
	v27 =	vld [tilespmem:s6+$0x10];
	s6 =	sadd.s32 $0x40, s6;
	v18 =	vadd.f32 v18, v21;
	v17 =	vadd.f32 v13, v17  }
0x29: {  	v28 =	vcvt.s32.f32 v7;
	v21 =	vor.u32 s10, v1;
	v13 =	vor.u32 s10, v4;
	v7 =	vld [tilespmem:s6+$0x0]  }
0x2a: {  	v29 =	vcvt.s32.f32 v8;
	s7 =	sadd.s32 $0x4, s7;
	vm0 =	vgt.f32 v14, v11;
	v14 =	vcvt.s32.f32 v10;
	v8 =	vld [tilespmem:s6+$0xFFFFFFF0]  }
0x2b: {  	p0 =	slt.u32 s7, $0x3C;
	v30 =	vsel vm0, $0x3F800000, v0;
	vm1 =	vgt.f32 v15, v12;
	vm0 =	vgt.f32 v25, v16;
	v10 =	vld [tilespmem:s6+$0xFFFFFFE0]  }
.Ltmp0:
0x2c: {  	v15 =	vmul.f32 v14, v30;
	v16 =	vadd.f32 v14, v30;
	v11 =	vld.idx.msk [tilespmem:v23+s5+$0x0], $0xffff;
	v23 =	vsel vm0, $0x3F800000, v0;
	(pc) =	sbr.rel @p0 .LBB2_1-.Ltmp0, $4  }
0x2d: {  	v25 =	vsel vm1, $0x3F800000, v0;
	vm0 =	vgt.f32 v20, v26;
	v14 =	vld.idx.msk [tilespmem:v24+s5+$0x0], $0xffff;
	v24 =	vadd.f32 v29, v23  }
0x2e: {  	v20 =	vadd.f32 v15, v18;
	v26 =	vadd.f32 v16, v17;
	v23 =	vmul.f32 v29, v23;
	v12 =	vld.idx.msk [tilespmem:v19+s5+$0x0], $0xffff  }
0x2f: {  	v17 =	vadd.f32 v28, v25;
	v18 =	vsel vm0, $0x3F800000, v0;
	v19 =	vcvt.s32.f32 v27;
	v15 =	vld.idx.msk [tilespmem:v22+s5+$0x0], $0xffff  }
0x30: {  	s8 =	sadd.s32 $0x80, s8;
	v22 =	vmul.f32 v28, v25;
	v16 =	vld.idx.msk [tilespmem:v21+s5+$0x0], $0xffff;
	v21 =	vadd.f32 v23, v20;
	v20 =	vadd.f32 v24, v26  }
0x31: {  	_ =	sdelay $0x3  }
0x32: {  	v1 =	vld.idx.msk [tilespmem:v13+s5+$0x0], $0xffff  }
0x33: {  	v3 =	vmul.f32 v19, v18  }
0x34: {  	v4 =	vadd.f32 v19, v18;
	v5 =	vld.idx.msk [tilespmem:v9+s5+$0x0], $0xffff;
	v49 =	vcvt.s32.f32 v10;
	v2 =	vadd.f32 v22, v21  }
0x35: {  	v6 =	vld.idx.msk [tilespmem:v6+s5+$0x0], $0xffff;
	v7 =	vcvt.s32.f32 v7;
	v48 =	vadd.f32 v17, v20;
	vm0 =	vgt.f32 v14, v11  }
0x36: {  	v50 =	vld [tilespmem:s6+$0x10];
	v8 =	vcvt.s32.f32 v8;
	v51 =	vsel vm0, $0x3F800000, v0;
	v2 =	vadd.f32 v3, v2  }
0x37: {  	v4 =	vadd.f32 v4, v48;
	v52 =	vmul.f32 v49, v51;
	vm14 =	vgt.f32 v1, v16  }
0x38: {  	vm1 =	vgt.f32 v15, v12;
	v3 =	vadd.f32 v49, v51;
	v53 =	vsel vm14, $0x3F800000, v0  }
0x39: {  	v56 =	vsel vm1, $0x3F800000, v0;
	v1 =	vadd.f32 v52, v2;
	v55 =	vmul.f32 v8, v53  }
0x3a: {  	vm15 =	vgt.f32 v6, v5;
	v3 =	vadd.f32 v3, v4;
	v54 =	vadd.f32 v8, v53  }
0x3b: {  	v57 =	vcvt.s32.f32 v50;
	v58 =	vmul.f32 v7, v56;
	v1 =	vadd.f32 v55, v1  }
0x3c: {  	v59 =	vadd.f32 v7, v56;
	v60 =	vsel vm15, $0x3F800000, v0;
	v3 =	vadd.f32 v54, v3  }
0x3d: {  	v61 =	vmul.f32 v57, v60;
	v1 =	vadd.f32 v58, v1  }
0x3e: {  	v0 =	vadd.f32 v57, v60;
	v3 =	vadd.f32 v59, v3  }
0x3f: {  	v1 =	vadd.f32 v61, v1  }
0x40: {  	v0 =	vadd.f32 v0, v3  }
0x41: {  	(xrf2) =	vadd.scan.msk.f32 $0xffff, v1  }
0x42: {  	(xrf2) =	vadd.scan.msk.f32 $0xffff, v0;
	_ =	sdelay $0x8  }
0x43: {  	v62, _, _ =	vpop (xrf2)  }
0x44: {  	v0 =	vbroadcast v62, $0xF;
	v63, _, _ =	vpop (xrf2)  }
0x45: {  	v1 =	vbroadcast v63, $0xF  }
0x46: {  	s4 =	sshrl.u32 s4, $0x2;
	[tilespmem:$0xC00] =	vst v0  }
0x47: {  	s31 =	simm.s32 $0xC00;
	s4 =	sadd.s32 s4, s2;
	[tilespmem:$0xC10] =	vst v1  }
0x48: {  	[spmem:s4] =	stream.linear.scatter [tilespmem:s31], [sflag:$0x3], $0x20, $0x38;
	[tilespmem:$0xF20] =	vst v63  }
0x49: {  	s4 =	simm.s32 $0x3  }
0x4a: {  	_ =	swait.ge [sflag:s4], $0x20  }
0x4b: {  	[sflag:s4] =	ssyncset.done $0x0  }
0x4c: {  	[sflag:s4] =	ssyncadd.s32 $0xFFFFFFE0  }
0x4d: {  	p0 =	sne.s32 s3, $0x0;
	[bflag:$0x0] =	sbarrier.arrive $0xFFFF  }
0x4e: {  	_ =	sfence.sel @p0 $0x180000  }
0x4f: {  	[bflag:$0x0] =	sbarrier.arrive @p0 $0xFFFF  }
0x50: {  	_ =	strace @p0 $0x90000047  }
0x51: {  	[bflag:$0x2] =	sbarrier.arrive @p0 $0xFFFF  }
0x52: {  	_ =	shalt @p0  }
.LBB2_3:
0x53: {  	s3 =	simm.s32 $0xCA0  }
0x54: {  	[tilespmem:s3], [sflag:$0x3] =	stream.linear.gather [spmem:s2], $0x200, $0x38;
	[tilespmem:$0xF20] =	vst v63  }
0x55: {  	_ =	swait.ge [sflag:s4], $0x200  }
0x56: {  	[sflag:s4] =	ssyncset.done $0x0  }
0x57: {  	[sflag:s4] =	ssyncadd.s32 $0xFFFFFE00  }
0x58: {  	v0 =	vld [tilespmem:$0xCB0];
	_ =	sdelay $0x1  }
0x59: {  	v1 =	vld [tilespmem:$0xCD0];
	_ =	sdelay $0x1  }
0x5a: {  	v2 =	vld [tilespmem:$0xCF0]  }
0x5b: {  	v0 =	vadd.f32 $0.0e+00, v0  }
0x5c: {  	v3 =	vld [tilespmem:$0xD10]  }
0x5d: {  	v0 =	vadd.f32 v1, v0  }
0x5e: {  	v39 =	vld [tilespmem:$0xD30]  }
0x5f: {  	v4 =	vld [tilespmem:$0xCA0];
	v0 =	vadd.f32 v2, v0  }
0x60: {  	v40 =	vld [tilespmem:$0xD50]  }
0x61: {  	v5 =	vld [tilespmem:$0xCC0];
	v0 =	vadd.f32 v3, v0  }
0x62: {  	v41 =	vld [tilespmem:$0xD70]  }
0x63: {  	v6 =	vld [tilespmem:$0xCE0];
	v0 =	vadd.f32 v39, v0  }
0x64: {  	v42 =	vld [tilespmem:$0xD90]  }
0x65: {  	v7 =	vld [tilespmem:$0xD00];
	v4 =	vadd.f32 $0.0e+00, v4;
	v0 =	vadd.f32 v40, v0  }
0x66: {  	v43 =	vld [tilespmem:$0xDB0]  }
0x67: {  	v44 =	vld [tilespmem:$0xD20];
	v4 =	vadd.f32 v5, v4;
	v0 =	vadd.f32 v41, v0  }
0x68: {  	v45 =	vld [tilespmem:$0xDD0]  }
0x69: {  	v46 =	vld [tilespmem:$0xD40];
	v4 =	vadd.f32 v6, v4;
	v0 =	vadd.f32 v42, v0  }
0x6a: {  	v47 =	vld [tilespmem:$0xDF0]  }
0x6b: {  	v48 =	vld [tilespmem:$0xD60];
	v4 =	vadd.f32 v7, v4;
	v0 =	vadd.f32 v43, v0  }
0x6c: {  	v49 =	vld [tilespmem:$0xE10]  }
0x6d: {  	v50 =	vld [tilespmem:$0xD80];
	v4 =	vadd.f32 v44, v4;
	v0 =	vadd.f32 v45, v0  }
0x6e: {  	v51 =	vld [tilespmem:$0xE30]  }
0x6f: {  	v52 =	vld [tilespmem:$0xDA0];
	v4 =	vadd.f32 v46, v4;
	v0 =	vadd.f32 v47, v0  }
0x70: {  	v53 =	vld [tilespmem:$0xE50]  }
0x71: {  	v54 =	vld [tilespmem:$0xDC0];
	v4 =	vadd.f32 v48, v4;
	v0 =	vadd.f32 v49, v0  }
0x72: {  	v55 =	vld [tilespmem:$0xE70]  }
0x73: {  	v56 =	vld [tilespmem:$0xDE0];
	v4 =	vadd.f32 v50, v4;
	v0 =	vadd.f32 v51, v0  }
0x74: {  	v57 =	vld [tilespmem:$0xE90]  }
0x75: {  	v4 =	vadd.f32 v52, v4;
	v0 =	vadd.f32 v53, v0  }
0x76: {  	v58 =	vld [tilespmem:$0xE00]  }
0x77: {  	v4 =	vadd.f32 v54, v4;
	v0 =	vadd.f32 v55, v0  }
0x78: {  	v59 =	vld [tilespmem:$0xE20]  }
0x79: {  	v4 =	vadd.f32 v56, v4;
	v0 =	vadd.f32 v57, v0  }
0x7a: {  	v60 =	vld [tilespmem:$0xE40]  }
0x7b: {  	v1 =	vadd.f32 v58, v4;
	v0 =	vadd.f32 $1.000000010e-10, v0  }
0x7c: {  	v61 =	vld [tilespmem:$0xE60]  }
0x7d: {  	v1 =	vadd.f32 v59, v1;
	(erf) = vrcp.f32 v0  }
0x7e: {  	v62 =	vld [tilespmem:$0xE80]  }
0x7f: {  	v1 =	vadd.f32 v60, v1;
	_ =	sdelay $0x1  }
0x80: {  	v1 =	vadd.f32 v61, v1;
	_ =	sdelay $0x1  }
0x81: {  	v0 =	vadd.f32 v62, v1;
	_ =	sdelay $0x1  }
0x82: {  	v0 =	vadd.f32 v0, v0  }
0x83: {  	v63 =	vpop (erf)  }
0x84: {  	v0 =	vmul.f32 v63, v0;
	_ =	sdelay $0x1  }
0x85: {  	s30 =	simm.s32 $0x0;
	s31 =	simm.s32 $0xEA0;
	[tilespmem:$0xEA0] =	vst v0  }
0x86: {  	[hbm4b:s1+s30] =	stream.linear.scatter [tilespmem:s31], [sflag:$0x3], $0x80, $0x38;
	[tilespmem:$0xF20] =	vst v63  }
0x87: {  	_ =	swait.ge [sflag:s4], $0x80  }
0x88: {  	[sflag:s4] =	ssyncset.done $0x0  }
0x89: {  	[sflag:s4] =	ssyncadd.s32 $0xFFFFFF80  }
0x8a: {  	_ =	sfence.sel $0x180000  }
0x8b: {  	[bflag:$0x0] =	sbarrier.arrive $0xFFFF  }
0x8c: {  	_ =	strace $0x90000047  }
0x8d: {  	s0 =	sadd.s32 $0x100000, s0;
	[bflag:$0x2] =	sbarrier.arrive $0xFFFF  }
0x8e: {  	[sflag:s0] =	ssyncadd.tile.s32 $0x1;
	_ =	shalt  }
.Lfunc_end2:
_tile_overlayer_lowered:
.L_overlay_start_2:
0x8f: {  	(tag) =	ssettag $0x2  }
0x90: {  	s0 =	rddreg [dreg:$0x0];
	s2 =	stileid.u32  }
0x91: {  	s1 =	rddreg [dreg:$0x1];
	p0 =	sne.s32 s2, $0x0  }
0x92: {  	s3 =	rddreg [dreg:$0x2];
	[bflag:$0x3] =	sbarrier.arrive $0xFFFF;
	s2 =	simm.s32 @!p0 $0x1C03  }
0x93: {  	[timem:s3], [sflag:s2] =	dma.local @!p0 [hbm:s0], s1  }
0x94: {  	s0 =	simm.s32 @!p0 $0x3  }
0x95: {  	_ =	swait.ge @!p0 [sflag:s0], s1  }
0x96: {  	s1 =	ssub.s32 @!p0 $0x0, s1;
	[sflag:s0] =	ssyncset.done @!p0 $0x0  }
0x97: {  	[sflag:s0] =	ssyncadd.s32 @!p0 s1  }
0x98: {  	[bflag:$0x3] =	sbarrier.arrive $0xFFFF  }
0x99: {  	_ =	shalt  }

</sc_bundles>
